<compile_context>
chip_gen: v7x
topology: tpu7x:2x2x1
jax: 0.10.2.dev20260603
libtpu: 0.0.44.dev20260713+nightly
codegen_flags: <defaults>
</compile_context>

<pallas_src>
import dataclasses

import jax
import jax.numpy as jnp
from jax import lax
from jax.experimental import pallas as pl
from jax.experimental.pallas import tpu as pltpu
from jax.experimental.pallas import tpu_sc as plsc
from jax._src.pallas import mpmd
from jax._src.pallas import core as pallas_core

_NC = 2
_NS = 16
_NW = _NC * _NS
_SIZES = (64, 64, 128, 256)
_NP = len(_SIZES)


def _vq(mem_ref, mesh):
    return dataclasses.replace(
        mem_ref,
        memory_space=pallas_core.CoreMemorySpace(mem_ref.memory_space, mesh),
    )


def kernel(idx, table):
    B = idx.shape[0]
    per_w = B // _NW
    assert sum(_SIZES) == per_w

    idx_r = idx.reshape(_NC, _NS, per_w)

    scalar_mesh = plsc.ScalarSubcoreMesh(axis_name="c", num_cores=_NC)
    vector_mesh = plsc.VectorSubcoreMesh(
        core_axis_name="c", subcore_axis_name="s",
        num_cores=_NC, num_subcores=_NS,
    )

    scratch_types = [
        pltpu.VMEM_SHARED((_NS, per_w), jnp.int32),
        _vq(pltpu.SemaphoreType.REGULAR(()), vector_mesh),
        _vq(pltpu.VMEM((per_w,), jnp.int32), vector_mesh),
        _vq(pltpu.VMEM((per_w,), jnp.int32), vector_mesh),
        _vq(pltpu.SemaphoreType.DMA((_NP,)), vector_mesh),
        _vq(pltpu.SemaphoreType.DMA(()), vector_mesh),
    ]

    def scs_fn(table_hbm, idx_hbm, out_hbm, idx_sh, ready, idx_v, vals_v,
               sem_g, sem_o):
        del table_hbm, out_hbm, idx_v, vals_v, sem_g, sem_o
        cid = lax.axis_index("c")
        pltpu.sync_copy(idx_hbm.at[cid], idx_sh)
        for s in range(_NS):
            pltpu.semaphore_signal(ready, 1, device_id={"s": s})

    def tec_fn(table_hbm, idx_hbm, out_hbm, idx_sh, ready, idx_v, vals_v,
               sem_g, sem_o):
        del idx_hbm
        cid = lax.axis_index("c")
        sid = lax.axis_index("s")
        offs = [sum(_SIZES[:j]) for j in range(_NP)]
        sl = [pl.ds(offs[j], _SIZES[j]) for j in range(_NP)]
        pl.semaphore_wait(ready, 1)
        pltpu.sync_copy(idx_sh.at[sid], idx_v)
        gs = []
        for j in range(_NP):
            gs.append(
                pltpu.async_copy(table_hbm.at[idx_v.at[sl[j]]],
                                 vals_v.at[sl[j]], sem_g.at[j])
            )
        os = []
        for j in range(_NP):
            gs[j].wait()
            os.append(
                pltpu.async_copy(vals_v.at[sl[j]],
                                 out_hbm.at[cid, sid, sl[j]], sem_o)
            )
        for o in os:
            o.wait()

    run = mpmd.mpmd_map(
        [(scalar_mesh, scs_fn), (vector_mesh, tec_fn)],
        out_types=jax.ShapeDtypeStruct((_NC, _NS, per_w), jnp.int32),
        scratch_types=scratch_types,
    )
    out = run(table, idx_r)
    return out.reshape(B)

# --- scband reference (transcript-rebuilt; emitter-appended) ---
"""Pipeline reference for scband-cifarclassification-task-11914239279697 (READ-ONLY COPY).

The authoritative reference and input builder live on the scoring server;
editing this copy changes nothing except your own understanding.
"""

import jax, jax.numpy as jnp
import numpy as np

N = 50000
DIM = 2
BATCH = 16384

def setup_inputs(seed: int = 0) -> dict:
    key = jax.random.key(seed)
    k_idx, k_table = jax.random.split(key)
    idx = jax.random.randint(k_idx, (BATCH,), 0, N, dtype=jnp.int64 if jax.config.jax_enable_x64 else jnp.int32)
    # lookup_table: non-trainable parameter of random labels in [0, DIM)
    table = jax.random.randint(k_table, (N,), 0, DIM, dtype=jnp.int64 if jax.config.jax_enable_x64 else jnp.int32)
    return {"idx": idx, "table": table}

def reference(idx, table):
    # CIFARClassificationTask.forward with task_type='random':
    #   t = self.lookup_table[idx]
    t = jnp.take(table, idx, axis=0)
    return t

if __name__ == "__main__":
    import jax
    _d = setup_inputs()
    print(jax.jit(kernel)(*tuple(_d.values())))

</pallas_src>

<mosaic_0001>
#map = affine_map<(d0) -> (0)>
#map1 = affine_map<(d0) -> (0, 0, 0)>
#map2 = affine_map<(d0, d1) -> (0)>
#map3 = affine_map<(d0, d1) -> (0, 0, 0)>
module attributes {stable_mosaic.version = 14 : i64} {
  func.func @scs_fn(%arg0: i32, %arg1: memref<50000xi32, #tpu.memory_space<hbm>>, %arg2: memref<2x16x512xi32, #tpu.memory_space<hbm>>, %arg3: memref<2x16x512xi32, #tpu.memory_space<hbm>>, %arg4: memref<16x512xi32, #tpu.memory_space<vmem_shared>>, %arg5: memref<!tpu.semaphore, #tpu.memory_space<semaphore_mem, sc_vector_subcore>>, %arg6: memref<512xi32, #tpu.memory_space<vmem, sc_vector_subcore>>, %arg7: memref<512xi32, #tpu.memory_space<vmem, sc_vector_subcore>>, %arg8: memref<4x!tpu.dma_semaphore, #tpu.memory_space<semaphore_mem, sc_vector_subcore>>, %arg9: memref<!tpu.dma_semaphore, #tpu.memory_space<semaphore_mem, sc_vector_subcore>>) attributes {dimension_semantics = [#tpu.dimension_semantics<core_parallel>], iteration_bounds = array<i64: 2>, scalar_prefetch = 0 : i64, scratch_operands = 6 : i64, tpu.core_type = #tpu.core_type<sc_scalar_subcore>, window_params = [{transform_indices = #map}, {transform_indices = #map1}, {transform_indices = #map1}]} {
    "tpu.region"() ({
      %run_scoped3A = tpu.sem_alloc : memref<!tpu.dma_semaphore, #tpu.memory_space<semaphore_mem>>
      %dma_start3A = arith.constant 0 : i32
      %dma_start3A_31 = arith.constant 0 : i32
      %dma_start3A_32 = tpu.memref_slice %arg2[%arg0, %dma_start3A, %dma_start3A_31] : memref<2x16x512xi32, #tpu.memory_space<hbm>> -> memref<1x16x512xi32, #tpu.memory_space<hbm>>
      %dma_start3A_33 = tpu.memref_squeeze %dma_start3A_32 : memref<1x16x512xi32, #tpu.memory_space<hbm>> -> memref<16x512xi32, #tpu.memory_space<hbm>>
      tpu.enqueue_dma source(%dma_start3A_33 : memref<16x512xi32, #tpu.memory_space<hbm>>) target(%arg4 : memref<16x512xi32, #tpu.memory_space<vmem_shared>>) target_semaphore(%run_scoped3A : memref<!tpu.dma_semaphore, #tpu.memory_space<semaphore_mem>>)
      %dma_wait3A = arith.constant 0 : i32
      %dma_wait3A_34 = arith.constant 0 : i32
      %dma_wait3A_35 = tpu.memref_slice %arg2[%arg0, %dma_wait3A, %dma_wait3A_34] : memref<2x16x512xi32, #tpu.memory_space<hbm>> -> memref<1x16x512xi32, #tpu.memory_space<hbm>>
      %dma_wait3A_36 = tpu.memref_squeeze %dma_wait3A_35 : memref<1x16x512xi32, #tpu.memory_space<hbm>> -> memref<16x512xi32, #tpu.memory_space<hbm>>
      tpu.wait_dma2 semaphore(%run_scoped3A : memref<!tpu.dma_semaphore, #tpu.memory_space<semaphore_mem>>) src(%dma_wait3A_36 : memref<16x512xi32, #tpu.memory_space<hbm>>) dst(%arg4 : memref<16x512xi32, #tpu.memory_space<vmem_shared>>)
      tpu.yield
    }) : () -> ()
    %semaphore_signal3A = arith.constant 1 : i32
    %semaphore_signal3A_0 = arith.constant 0 : i32
    tpu.sem_signal %arg5, %semaphore_signal3A core_id %arg0 subcore_id %semaphore_signal3A_0 : memref<!tpu.semaphore, #tpu.memory_space<semaphore_mem, sc_vector_subcore>>
    %semaphore_signal3A_1 = arith.constant 1 : i32
    %semaphore_signal3A_2 = arith.constant 1 : i32
    tpu.sem_signal %arg5, %semaphore_signal3A_1 core_id %arg0 subcore_id %semaphore_signal3A_2 : memref<!tpu.semaphore, #tpu.memory_space<semaphore_mem, sc_vector_subcore>>
    %semaphore_signal3A_3 = arith.constant 1 : i32
    %semaphore_signal3A_4 = arith.constant 2 : i32
    tpu.sem_signal %arg5, %semaphore_signal3A_3 core_id %arg0 subcore_id %semaphore_signal3A_4 : memref<!tpu.semaphore, #tpu.memory_space<semaphore_mem, sc_vector_subcore>>
    %semaphore_signal3A_5 = arith.constant 1 : i32
    %semaphore_signal3A_6 = arith.constant 3 : i32
    tpu.sem_signal %arg5, %semaphore_signal3A_5 core_id %arg0 subcore_id %semaphore_signal3A_6 : memref<!tpu.semaphore, #tpu.memory_space<semaphore_mem, sc_vector_subcore>>
    %semaphore_signal3A_7 = arith.constant 1 : i32
    %semaphore_signal3A_8 = arith.constant 4 : i32
    tpu.sem_signal %arg5, %semaphore_signal3A_7 core_id %arg0 subcore_id %semaphore_signal3A_8 : memref<!tpu.semaphore, #tpu.memory_space<semaphore_mem, sc_vector_subcore>>
    %semaphore_signal3A_9 = arith.constant 1 : i32
    %semaphore_signal3A_10 = arith.constant 5 : i32
    tpu.sem_signal %arg5, %semaphore_signal3A_9 core_id %arg0 subcore_id %semaphore_signal3A_10 : memref<!tpu.semaphore, #tpu.memory_space<semaphore_mem, sc_vector_subcore>>
    %semaphore_signal3A_11 = arith.constant 1 : i32
    %semaphore_signal3A_12 = arith.constant 6 : i32
    tpu.sem_signal %arg5, %semaphore_signal3A_11 core_id %arg0 subcore_id %semaphore_signal3A_12 : memref<!tpu.semaphore, #tpu.memory_space<semaphore_mem, sc_vector_subcore>>
    %semaphore_signal3A_13 = arith.constant 1 : i32
    %semaphore_signal3A_14 = arith.constant 7 : i32
    tpu.sem_signal %arg5, %semaphore_signal3A_13 core_id %arg0 subcore_id %semaphore_signal3A_14 : memref<!tpu.semaphore, #tpu.memory_space<semaphore_mem, sc_vector_subcore>>
    %semaphore_signal3A_15 = arith.constant 1 : i32
    %semaphore_signal3A_16 = arith.constant 8 : i32
    tpu.sem_signal %arg5, %semaphore_signal3A_15 core_id %arg0 subcore_id %semaphore_signal3A_16 : memref<!tpu.semaphore, #tpu.memory_space<semaphore_mem, sc_vector_subcore>>
    %semaphore_signal3A_17 = arith.constant 1 : i32
    %semaphore_signal3A_18 = arith.constant 9 : i32
    tpu.sem_signal %arg5, %semaphore_signal3A_17 core_id %arg0 subcore_id %semaphore_signal3A_18 : memref<!tpu.semaphore, #tpu.memory_space<semaphore_mem, sc_vector_subcore>>
    %semaphore_signal3A_19 = arith.constant 1 : i32
    %semaphore_signal3A_20 = arith.constant 10 : i32
    tpu.sem_signal %arg5, %semaphore_signal3A_19 core_id %arg0 subcore_id %semaphore_signal3A_20 : memref<!tpu.semaphore, #tpu.memory_space<semaphore_mem, sc_vector_subcore>>
    %semaphore_signal3A_21 = arith.constant 1 : i32
    %semaphore_signal3A_22 = arith.constant 11 : i32
    tpu.sem_signal %arg5, %semaphore_signal3A_21 core_id %arg0 subcore_id %semaphore_signal3A_22 : memref<!tpu.semaphore, #tpu.memory_space<semaphore_mem, sc_vector_subcore>>
    %semaphore_signal3A_23 = arith.constant 1 : i32
    %semaphore_signal3A_24 = arith.constant 12 : i32
    tpu.sem_signal %arg5, %semaphore_signal3A_23 core_id %arg0 subcore_id %semaphore_signal3A_24 : memref<!tpu.semaphore, #tpu.memory_space<semaphore_mem, sc_vector_subcore>>
    %semaphore_signal3A_25 = arith.constant 1 : i32
    %semaphore_signal3A_26 = arith.constant 13 : i32
    tpu.sem_signal %arg5, %semaphore_signal3A_25 core_id %arg0 subcore_id %semaphore_signal3A_26 : memref<!tpu.semaphore, #tpu.memory_space<semaphore_mem, sc_vector_subcore>>
    %semaphore_signal3A_27 = arith.constant 1 : i32
    %semaphore_signal3A_28 = arith.constant 14 : i32
    tpu.sem_signal %arg5, %semaphore_signal3A_27 core_id %arg0 subcore_id %semaphore_signal3A_28 : memref<!tpu.semaphore, #tpu.memory_space<semaphore_mem, sc_vector_subcore>>
    %semaphore_signal3A_29 = arith.constant 1 : i32
    %semaphore_signal3A_30 = arith.constant 15 : i32
    tpu.sem_signal %arg5, %semaphore_signal3A_29 core_id %arg0 subcore_id %semaphore_signal3A_30 : memref<!tpu.semaphore, #tpu.memory_space<semaphore_mem, sc_vector_subcore>>
    return
  }
  func.func @tec_fn(%arg0: i32, %arg1: i32, %arg2: memref<50000xi32, #tpu.memory_space<hbm>>, %arg3: memref<2x16x512xi32, #tpu.memory_space<hbm>>, %arg4: memref<2x16x512xi32, #tpu.memory_space<hbm>>, %arg5: memref<16x512xi32, #tpu.memory_space<vmem_shared>>, %arg6: memref<!tpu.semaphore, #tpu.memory_space<semaphore_mem>>, %arg7: memref<512xi32, #tpu.memory_space<vmem>>, %arg8: memref<512xi32, #tpu.memory_space<vmem>>, %arg9: memref<4x!tpu.dma_semaphore, #tpu.memory_space<semaphore_mem>>, %arg10: memref<!tpu.dma_semaphore, #tpu.memory_space<semaphore_mem>>) attributes {dimension_semantics = [#tpu.dimension_semantics<core_parallel>, #tpu.dimension_semantics<subcore_parallel>], iteration_bounds = array<i64: 2, 16>, scalar_prefetch = 0 : i64, scratch_operands = 6 : i64, tpu.core_type = #tpu.core_type<sc_vector_subcore>, window_params = [{transform_indices = #map2}, {transform_indices = #map3}, {transform_indices = #map3}]} {
    %semaphore_wait3A = arith.constant 1 : i32
    %semaphore_wait3A_0 = arith.constant true
    tpu.sem_wait %arg6, %semaphore_wait3A : memref<!tpu.semaphore, #tpu.memory_space<semaphore_mem>>
    "tpu.region"() ({
      %run_scoped3A = tpu.sem_alloc : memref<!tpu.dma_semaphore, #tpu.memory_space<semaphore_mem>>
      %dma_start3A_151 = arith.constant 0 : i32
      %dma_start3A_152 = tpu.memref_slice %arg5[%arg1, %dma_start3A_151] : memref<16x512xi32, #tpu.memory_space<vmem_shared>> -> memref<1x512xi32, #tpu.memory_space<vmem_shared>>
      %dma_start3A_153 = tpu.memref_squeeze %dma_start3A_152 : memref<1x512xi32, #tpu.memory_space<vmem_shared>> -> memref<512xi32, #tpu.memory_space<vmem_shared>>
      %dma_start3A_154 = arith.constant 0 : i32
      %dma_start3A_155 = tpu.memref_slice %arg5[%arg1, %dma_start3A_154] : memref<16x512xi32, #tpu.memory_space<vmem_shared>> -> memref<1x512xi32, #tpu.memory_space<vmem_shared>>
      %dma_start3A_156 = tpu.memref_squeeze %dma_start3A_155 : memref<1x512xi32, #tpu.memory_space<vmem_shared>> -> memref<512xi32, #tpu.memory_space<vmem_shared>>
      tpu.enqueue_dma source(%dma_start3A_156 : memref<512xi32, #tpu.memory_space<vmem_shared>>) target(%arg7 : memref<512xi32, #tpu.memory_space<vmem>>) target_semaphore(%run_scoped3A : memref<!tpu.dma_semaphore, #tpu.memory_space<semaphore_mem>>)
      %dma_wait3A_157 = arith.constant 0 : i32
      %dma_wait3A_158 = tpu.memref_slice %arg5[%arg1, %dma_wait3A_157] : memref<16x512xi32, #tpu.memory_space<vmem_shared>> -> memref<1x512xi32, #tpu.memory_space<vmem_shared>>
      %dma_wait3A_159 = tpu.memref_squeeze %dma_wait3A_158 : memref<1x512xi32, #tpu.memory_space<vmem_shared>> -> memref<512xi32, #tpu.memory_space<vmem_shared>>
      %dma_wait3A_160 = arith.constant 0 : i32
      %dma_wait3A_161 = tpu.memref_slice %arg5[%arg1, %dma_wait3A_160] : memref<16x512xi32, #tpu.memory_space<vmem_shared>> -> memref<1x512xi32, #tpu.memory_space<vmem_shared>>
      %dma_wait3A_162 = tpu.memref_squeeze %dma_wait3A_161 : memref<1x512xi32, #tpu.memory_space<vmem_shared>> -> memref<512xi32, #tpu.memory_space<vmem_shared>>
      tpu.wait_dma2 semaphore(%run_scoped3A : memref<!tpu.dma_semaphore, #tpu.memory_space<semaphore_mem>>) src(%dma_wait3A_162 : memref<512xi32, #tpu.memory_space<vmem_shared>>) dst(%arg7 : memref<512xi32, #tpu.memory_space<vmem>>)
      tpu.yield
    }) : () -> ()
    %dma_start3A = arith.constant 0 : i32
    %dma_start3A_1 = arith.constant 0 : i32
    %dma_start3A_2 = tpu.memref_slice %arg8[%dma_start3A_1] : memref<512xi32, #tpu.memory_space<vmem>> -> memref<64xi32, #tpu.memory_space<vmem>>
    %dma_start3A_3 = arith.constant 0 : i32
    %dma_start3A_4 = tpu.memref_slice %arg7[%dma_start3A_3] : memref<512xi32, #tpu.memory_space<vmem>> -> memref<64xi32, #tpu.memory_space<vmem>>
    %dma_start3A_5 = arith.constant 0 : i32
    %dma_start3A_6 = tpu.memref_slice %arg2[%dma_start3A_5] : memref<50000xi32, #tpu.memory_space<hbm>> -> memref<50000xi32, #tpu.memory_space<hbm>>
    %dma_start3A_7 = tpu.memref_slice %arg9[%dma_start3A] : memref<4x!tpu.dma_semaphore, #tpu.memory_space<semaphore_mem>> -> memref<1x!tpu.dma_semaphore, #tpu.memory_space<semaphore_mem>>
    %dma_start3A_8 = tpu.memref_squeeze %dma_start3A_7 : memref<1x!tpu.dma_semaphore, #tpu.memory_space<semaphore_mem>> -> memref<!tpu.dma_semaphore, #tpu.memory_space<semaphore_mem>>
    tpu.enqueue_indirect_dma source(%dma_start3A_6 : memref<50000xi32, #tpu.memory_space<hbm>>) target(%dma_start3A_2 : memref<64xi32, #tpu.memory_space<vmem>>) offsets(%dma_start3A_4 : memref<64xi32, #tpu.memory_space<vmem>>) semaphore(%dma_start3A_8 : memref<!tpu.dma_semaphore, #tpu.memory_space<semaphore_mem>>)
    %dma_start3A_9 = arith.constant 1 : i32
    %dma_start3A_10 = arith.constant 64 : i32
    %dma_start3A_11 = tpu.memref_slice %arg8[%dma_start3A_10] : memref<512xi32, #tpu.memory_space<vmem>> -> memref<64xi32, #tpu.memory_space<vmem>>
    %dma_start3A_12 = arith.constant 64 : i32
    %dma_start3A_13 = tpu.memref_slice %arg7[%dma_start3A_12] : memref<512xi32, #tpu.memory_space<vmem>> -> memref<64xi32, #tpu.memory_space<vmem>>
    %dma_start3A_14 = arith.constant 0 : i32
    %dma_start3A_15 = tpu.memref_slice %arg2[%dma_start3A_14] : memref<50000xi32, #tpu.memory_space<hbm>> -> memref<50000xi32, #tpu.memory_space<hbm>>
    %dma_start3A_16 = tpu.memref_slice %arg9[%dma_start3A_9] : memref<4x!tpu.dma_semaphore, #tpu.memory_space<semaphore_mem>> -> memref<1x!tpu.dma_semaphore, #tpu.memory_space<semaphore_mem>>
    %dma_start3A_17 = tpu.memref_squeeze %dma_start3A_16 : memref<1x!tpu.dma_semaphore, #tpu.memory_space<semaphore_mem>> -> memref<!tpu.dma_semaphore, #tpu.memory_space<semaphore_mem>>
    tpu.enqueue_indirect_dma source(%dma_start3A_15 : memref<50000xi32, #tpu.memory_space<hbm>>) target(%dma_start3A_11 : memref<64xi32, #tpu.memory_space<vmem>>) offsets(%dma_start3A_13 : memref<64xi32, #tpu.memory_space<vmem>>) semaphore(%dma_start3A_17 : memref<!tpu.dma_semaphore, #tpu.memory_space<semaphore_mem>>)
    %dma_start3A_18 = arith.constant 2 : i32
    %dma_start3A_19 = arith.constant 128 : i32
    %dma_start3A_20 = tpu.memref_slice %arg8[%dma_start3A_19] : memref<512xi32, #tpu.memory_space<vmem>> -> memref<128xi32, #tpu.memory_space<vmem>>
    %dma_start3A_21 = arith.constant 128 : i32
    %dma_start3A_22 = tpu.memref_slice %arg7[%dma_start3A_21] : memref<512xi32, #tpu.memory_space<vmem>> -> memref<128xi32, #tpu.memory_space<vmem>>
    %dma_start3A_23 = arith.constant 0 : i32
    %dma_start3A_24 = tpu.memref_slice %arg2[%dma_start3A_23] : memref<50000xi32, #tpu.memory_space<hbm>> -> memref<50000xi32, #tpu.memory_space<hbm>>
    %dma_start3A_25 = tpu.memref_slice %arg9[%dma_start3A_18] : memref<4x!tpu.dma_semaphore, #tpu.memory_space<semaphore_mem>> -> memref<1x!tpu.dma_semaphore, #tpu.memory_space<semaphore_mem>>
    %dma_start3A_26 = tpu.memref_squeeze %dma_start3A_25 : memref<1x!tpu.dma_semaphore, #tpu.memory_space<semaphore_mem>> -> memref<!tpu.dma_semaphore, #tpu.memory_space<semaphore_mem>>
    tpu.enqueue_indirect_dma source(%dma_start3A_24 : memref<50000xi32, #tpu.memory_space<hbm>>) target(%dma_start3A_20 : memref<128xi32, #tpu.memory_space<vmem>>) offsets(%dma_start3A_22 : memref<128xi32, #tpu.memory_space<vmem>>) semaphore(%dma_start3A_26 : memref<!tpu.dma_semaphore, #tpu.memory_space<semaphore_mem>>)
    %dma_start3A_27 = arith.constant 3 : i32
    %dma_start3A_28 = arith.constant 256 : i32
    %dma_start3A_29 = tpu.memref_slice %arg8[%dma_start3A_28] : memref<512xi32, #tpu.memory_space<vmem>> -> memref<256xi32, #tpu.memory_space<vmem>>
    %dma_start3A_30 = arith.constant 256 : i32
    %dma_start3A_31 = tpu.memref_slice %arg7[%dma_start3A_30] : memref<512xi32, #tpu.memory_space<vmem>> -> memref<256xi32, #tpu.memory_space<vmem>>
    %dma_start3A_32 = arith.constant 0 : i32
    %dma_start3A_33 = tpu.memref_slice %arg2[%dma_start3A_32] : memref<50000xi32, #tpu.memory_space<hbm>> -> memref<50000xi32, #tpu.memory_space<hbm>>
    %dma_start3A_34 = tpu.memref_slice %arg9[%dma_start3A_27] : memref<4x!tpu.dma_semaphore, #tpu.memory_space<semaphore_mem>> -> memref<1x!tpu.dma_semaphore, #tpu.memory_space<semaphore_mem>>
    %dma_start3A_35 = tpu.memref_squeeze %dma_start3A_34 : memref<1x!tpu.dma_semaphore, #tpu.memory_space<semaphore_mem>> -> memref<!tpu.dma_semaphore, #tpu.memory_space<semaphore_mem>>
    tpu.enqueue_indirect_dma source(%dma_start3A_33 : memref<50000xi32, #tpu.memory_space<hbm>>) target(%dma_start3A_29 : memref<256xi32, #tpu.memory_space<vmem>>) offsets(%dma_start3A_31 : memref<256xi32, #tpu.memory_space<vmem>>) semaphore(%dma_start3A_35 : memref<!tpu.dma_semaphore, #tpu.memory_space<semaphore_mem>>)
    %dma_wait3A = arith.constant 0 : i32
    %dma_wait3A_36 = arith.constant 0 : i32
    %dma_wait3A_37 = tpu.memref_slice %arg8[%dma_wait3A_36] : memref<512xi32, #tpu.memory_space<vmem>> -> memref<64xi32, #tpu.memory_space<vmem>>
    %dma_wait3A_38 = arith.constant 0 : i32
    %dma_wait3A_39 = tpu.memref_slice %arg7[%dma_wait3A_38] : memref<512xi32, #tpu.memory_space<vmem>> -> memref<64xi32, #tpu.memory_space<vmem>>
    %dma_wait3A_40 = arith.constant 0 : i32
    %dma_wait3A_41 = tpu.memref_slice %arg2[%dma_wait3A_40] : memref<50000xi32, #tpu.memory_space<hbm>> -> memref<50000xi32, #tpu.memory_space<hbm>>
    %dma_wait3A_42 = tpu.memref_slice %arg9[%dma_wait3A] : memref<4x!tpu.dma_semaphore, #tpu.memory_space<semaphore_mem>> -> memref<1x!tpu.dma_semaphore, #tpu.memory_space<semaphore_mem>>
    %dma_wait3A_43 = tpu.memref_squeeze %dma_wait3A_42 : memref<1x!tpu.dma_semaphore, #tpu.memory_space<semaphore_mem>> -> memref<!tpu.dma_semaphore, #tpu.memory_space<semaphore_mem>>
    tpu.wait_indirect_dma semaphore(%dma_wait3A_43 : memref<!tpu.dma_semaphore, #tpu.memory_space<semaphore_mem>>) src(%dma_wait3A_41 : memref<50000xi32, #tpu.memory_space<hbm>>) dst(%dma_wait3A_37 : memref<64xi32, #tpu.memory_space<vmem>>)
    %dma_start3A_44 = arith.constant 0 : i32
    %dma_start3A_45 = tpu.memref_slice %arg8[%dma_start3A_44] : memref<512xi32, #tpu.memory_space<vmem>> -> memref<64xi32, #tpu.memory_space<vmem>>
    %dma_start3A_46 = arith.constant 0 : i32
    %dma_start3A_47 = tpu.memref_slice %arg4[%arg0, %arg1, %dma_start3A_46] : memref<2x16x512xi32, #tpu.memory_space<hbm>> -> memref<1x1x64xi32, #tpu.memory_space<hbm>>
    %dma_start3A_48 = tpu.memref_squeeze %dma_start3A_47 : memref<1x1x64xi32, #tpu.memory_space<hbm>> -> memref<64xi32, #tpu.memory_space<hbm>>
    %dma_start3A_49 = arith.constant 0 : i32
    %dma_start3A_50 = tpu.memref_slice %arg4[%arg0, %arg1, %dma_start3A_49] : memref<2x16x512xi32, #tpu.memory_space<hbm>> -> memref<1x1x64xi32, #tpu.memory_space<hbm>>
    %dma_start3A_51 = tpu.memref_squeeze %dma_start3A_50 : memref<1x1x64xi32, #tpu.memory_space<hbm>> -> memref<64xi32, #tpu.memory_space<hbm>>
    %dma_start3A_52 = arith.constant 0 : i32
    %dma_start3A_53 = tpu.memref_slice %arg8[%dma_start3A_52] : memref<512xi32, #tpu.memory_space<vmem>> -> memref<64xi32, #tpu.memory_space<vmem>>
    tpu.enqueue_dma source(%dma_start3A_53 : memref<64xi32, #tpu.memory_space<vmem>>) target(%dma_start3A_51 : memref<64xi32, #tpu.memory_space<hbm>>) target_semaphore(%arg10 : memref<!tpu.dma_semaphore, #tpu.memory_space<semaphore_mem>>)
    %dma_wait3A_54 = arith.constant 1 : i32
    %dma_wait3A_55 = arith.constant 64 : i32
    %dma_wait3A_56 = tpu.memref_slice %arg8[%dma_wait3A_55] : memref<512xi32, #tpu.memory_space<vmem>> -> memref<64xi32, #tpu.memory_space<vmem>>
    %dma_wait3A_57 = arith.constant 64 : i32
    %dma_wait3A_58 = tpu.memref_slice %arg7[%dma_wait3A_57] : memref<512xi32, #tpu.memory_space<vmem>> -> memref<64xi32, #tpu.memory_space<vmem>>
    %dma_wait3A_59 = arith.constant 0 : i32
    %dma_wait3A_60 = tpu.memref_slice %arg2[%dma_wait3A_59] : memref<50000xi32, #tpu.memory_space<hbm>> -> memref<50000xi32, #tpu.memory_space<hbm>>
    %dma_wait3A_61 = tpu.memref_slice %arg9[%dma_wait3A_54] : memref<4x!tpu.dma_semaphore, #tpu.memory_space<semaphore_mem>> -> memref<1x!tpu.dma_semaphore, #tpu.memory_space<semaphore_mem>>
    %dma_wait3A_62 = tpu.memref_squeeze %dma_wait3A_61 : memref<1x!tpu.dma_semaphore, #tpu.memory_space<semaphore_mem>> -> memref<!tpu.dma_semaphore, #tpu.memory_space<semaphore_mem>>
    tpu.wait_indirect_dma semaphore(%dma_wait3A_62 : memref<!tpu.dma_semaphore, #tpu.memory_space<semaphore_mem>>) src(%dma_wait3A_60 : memref<50000xi32, #tpu.memory_space<hbm>>) dst(%dma_wait3A_56 : memref<64xi32, #tpu.memory_space<vmem>>)
    %dma_start3A_63 = arith.constant 64 : i32
    %dma_start3A_64 = tpu.memref_slice %arg8[%dma_start3A_63] : memref<512xi32, #tpu.memory_space<vmem>> -> memref<64xi32, #tpu.memory_space<vmem>>
    %dma_start3A_65 = arith.constant 64 : i32
    %dma_start3A_66 = tpu.memref_slice %arg4[%arg0, %arg1, %dma_start3A_65] : memref<2x16x512xi32, #tpu.memory_space<hbm>> -> memref<1x1x64xi32, #tpu.memory_space<hbm>>
    %dma_start3A_67 = tpu.memref_squeeze %dma_start3A_66 : memref<1x1x64xi32, #tpu.memory_space<hbm>> -> memref<64xi32, #tpu.memory_space<hbm>>
    %dma_start3A_68 = arith.constant 64 : i32
    %dma_start3A_69 = tpu.memref_slice %arg4[%arg0, %arg1, %dma_start3A_68] : memref<2x16x512xi32, #tpu.memory_space<hbm>> -> memref<1x1x64xi32, #tpu.memory_space<hbm>>
    %dma_start3A_70 = tpu.memref_squeeze %dma_start3A_69 : memref<1x1x64xi32, #tpu.memory_space<hbm>> -> memref<64xi32, #tpu.memory_space<hbm>>
    %dma_start3A_71 = arith.constant 64 : i32
    %dma_start3A_72 = tpu.memref_slice %arg8[%dma_start3A_71] : memref<512xi32, #tpu.memory_space<vmem>> -> memref<64xi32, #tpu.memory_space<vmem>>
    tpu.enqueue_dma source(%dma_start3A_72 : memref<64xi32, #tpu.memory_space<vmem>>) target(%dma_start3A_70 : memref<64xi32, #tpu.memory_space<hbm>>) target_semaphore(%arg10 : memref<!tpu.dma_semaphore, #tpu.memory_space<semaphore_mem>>)
    %dma_wait3A_73 = arith.constant 2 : i32
    %dma_wait3A_74 = arith.constant 128 : i32
    %dma_wait3A_75 = tpu.memref_slice %arg8[%dma_wait3A_74] : memref<512xi32, #tpu.memory_space<vmem>> -> memref<128xi32, #tpu.memory_space<vmem>>
    %dma_wait3A_76 = arith.constant 128 : i32
    %dma_wait3A_77 = tpu.memref_slice %arg7[%dma_wait3A_76] : memref<512xi32, #tpu.memory_space<vmem>> -> memref<128xi32, #tpu.memory_space<vmem>>
    %dma_wait3A_78 = arith.constant 0 : i32
    %dma_wait3A_79 = tpu.memref_slice %arg2[%dma_wait3A_78] : memref<50000xi32, #tpu.memory_space<hbm>> -> memref<50000xi32, #tpu.memory_space<hbm>>
    %dma_wait3A_80 = tpu.memref_slice %arg9[%dma_wait3A_73] : memref<4x!tpu.dma_semaphore, #tpu.memory_space<semaphore_mem>> -> memref<1x!tpu.dma_semaphore, #tpu.memory_space<semaphore_mem>>
    %dma_wait3A_81 = tpu.memref_squeeze %dma_wait3A_80 : memref<1x!tpu.dma_semaphore, #tpu.memory_space<semaphore_mem>> -> memref<!tpu.dma_semaphore, #tpu.memory_space<semaphore_mem>>
    tpu.wait_indirect_dma semaphore(%dma_wait3A_81 : memref<!tpu.dma_semaphore, #tpu.memory_space<semaphore_mem>>) src(%dma_wait3A_79 : memref<50000xi32, #tpu.memory_space<hbm>>) dst(%dma_wait3A_75 : memref<128xi32, #tpu.memory_space<vmem>>)
    %dma_start3A_82 = arith.constant 128 : i32
    %dma_start3A_83 = tpu.memref_slice %arg8[%dma_start3A_82] : memref<512xi32, #tpu.memory_space<vmem>> -> memref<128xi32, #tpu.memory_space<vmem>>
    %dma_start3A_84 = arith.constant 128 : i32
    %dma_start3A_85 = tpu.memref_slice %arg4[%arg0, %arg1, %dma_start3A_84] : memref<2x16x512xi32, #tpu.memory_space<hbm>> -> memref<1x1x128xi32, #tpu.memory_space<hbm>>
    %dma_start3A_86 = tpu.memref_squeeze %dma_start3A_85 : memref<1x1x128xi32, #tpu.memory_space<hbm>> -> memref<128xi32, #tpu.memory_space<hbm>>
    %dma_start3A_87 = arith.constant 128 : i32
    %dma_start3A_88 = tpu.memref_slice %arg4[%arg0, %arg1, %dma_start3A_87] : memref<2x16x512xi32, #tpu.memory_space<hbm>> -> memref<1x1x128xi32, #tpu.memory_space<hbm>>
    %dma_start3A_89 = tpu.memref_squeeze %dma_start3A_88 : memref<1x1x128xi32, #tpu.memory_space<hbm>> -> memref<128xi32, #tpu.memory_space<hbm>>
    %dma_start3A_90 = arith.constant 128 : i32
    %dma_start3A_91 = tpu.memref_slice %arg8[%dma_start3A_90] : memref<512xi32, #tpu.memory_space<vmem>> -> memref<128xi32, #tpu.memory_space<vmem>>
    tpu.enqueue_dma source(%dma_start3A_91 : memref<128xi32, #tpu.memory_space<vmem>>) target(%dma_start3A_89 : memref<128xi32, #tpu.memory_space<hbm>>) target_semaphore(%arg10 : memref<!tpu.dma_semaphore, #tpu.memory_space<semaphore_mem>>)
    %dma_wait3A_92 = arith.constant 3 : i32
    %dma_wait3A_93 = arith.constant 256 : i32
    %dma_wait3A_94 = tpu.memref_slice %arg8[%dma_wait3A_93] : memref<512xi32, #tpu.memory_space<vmem>> -> memref<256xi32, #tpu.memory_space<vmem>>
    %dma_wait3A_95 = arith.constant 256 : i32
    %dma_wait3A_96 = tpu.memref_slice %arg7[%dma_wait3A_95] : memref<512xi32, #tpu.memory_space<vmem>> -> memref<256xi32, #tpu.memory_space<vmem>>
    %dma_wait3A_97 = arith.constant 0 : i32
    %dma_wait3A_98 = tpu.memref_slice %arg2[%dma_wait3A_97] : memref<50000xi32, #tpu.memory_space<hbm>> -> memref<50000xi32, #tpu.memory_space<hbm>>
    %dma_wait3A_99 = tpu.memref_slice %arg9[%dma_wait3A_92] : memref<4x!tpu.dma_semaphore, #tpu.memory_space<semaphore_mem>> -> memref<1x!tpu.dma_semaphore, #tpu.memory_space<semaphore_mem>>
    %dma_wait3A_100 = tpu.memref_squeeze %dma_wait3A_99 : memref<1x!tpu.dma_semaphore, #tpu.memory_space<semaphore_mem>> -> memref<!tpu.dma_semaphore, #tpu.memory_space<semaphore_mem>>
    tpu.wait_indirect_dma semaphore(%dma_wait3A_100 : memref<!tpu.dma_semaphore, #tpu.memory_space<semaphore_mem>>) src(%dma_wait3A_98 : memref<50000xi32, #tpu.memory_space<hbm>>) dst(%dma_wait3A_94 : memref<256xi32, #tpu.memory_space<vmem>>)
    %dma_start3A_101 = arith.constant 256 : i32
    %dma_start3A_102 = tpu.memref_slice %arg8[%dma_start3A_101] : memref<512xi32, #tpu.memory_space<vmem>> -> memref<256xi32, #tpu.memory_space<vmem>>
    %dma_start3A_103 = arith.constant 256 : i32
    %dma_start3A_104 = tpu.memref_slice %arg4[%arg0, %arg1, %dma_start3A_103] : memref<2x16x512xi32, #tpu.memory_space<hbm>> -> memref<1x1x256xi32, #tpu.memory_space<hbm>>
    %dma_start3A_105 = tpu.memref_squeeze %dma_start3A_104 : memref<1x1x256xi32, #tpu.memory_space<hbm>> -> memref<256xi32, #tpu.memory_space<hbm>>
    %dma_start3A_106 = arith.constant 256 : i32
    %dma_start3A_107 = tpu.memref_slice %arg4[%arg0, %arg1, %dma_start3A_106] : memref<2x16x512xi32, #tpu.memory_space<hbm>> -> memref<1x1x256xi32, #tpu.memory_space<hbm>>
    %dma_start3A_108 = tpu.memref_squeeze %dma_start3A_107 : memref<1x1x256xi32, #tpu.memory_space<hbm>> -> memref<256xi32, #tpu.memory_space<hbm>>
    %dma_start3A_109 = arith.constant 256 : i32
    %dma_start3A_110 = tpu.memref_slice %arg8[%dma_start3A_109] : memref<512xi32, #tpu.memory_space<vmem>> -> memref<256xi32, #tpu.memory_space<vmem>>
    tpu.enqueue_dma source(%dma_start3A_110 : memref<256xi32, #tpu.memory_space<vmem>>) target(%dma_start3A_108 : memref<256xi32, #tpu.memory_space<hbm>>) target_semaphore(%arg10 : memref<!tpu.dma_semaphore, #tpu.memory_space<semaphore_mem>>)
    %dma_wait3A_111 = arith.constant 0 : i32
    %dma_wait3A_112 = tpu.memref_slice %arg8[%dma_wait3A_111] : memref<512xi32, #tpu.memory_space<vmem>> -> memref<64xi32, #tpu.memory_space<vmem>>
    %dma_wait3A_113 = arith.constant 0 : i32
    %dma_wait3A_114 = tpu.memref_slice %arg4[%arg0, %arg1, %dma_wait3A_113] : memref<2x16x512xi32, #tpu.memory_space<hbm>> -> memref<1x1x64xi32, #tpu.memory_space<hbm>>
    %dma_wait3A_115 = tpu.memref_squeeze %dma_wait3A_114 : memref<1x1x64xi32, #tpu.memory_space<hbm>> -> memref<64xi32, #tpu.memory_space<hbm>>
    %dma_wait3A_116 = arith.constant 0 : i32
    %dma_wait3A_117 = tpu.memref_slice %arg4[%arg0, %arg1, %dma_wait3A_116] : memref<2x16x512xi32, #tpu.memory_space<hbm>> -> memref<1x1x64xi32, #tpu.memory_space<hbm>>
    %dma_wait3A_118 = tpu.memref_squeeze %dma_wait3A_117 : memref<1x1x64xi32, #tpu.memory_space<hbm>> -> memref<64xi32, #tpu.memory_space<hbm>>
    %dma_wait3A_119 = arith.constant 0 : i32
    %dma_wait3A_120 = tpu.memref_slice %arg8[%dma_wait3A_119] : memref<512xi32, #tpu.memory_space<vmem>> -> memref<64xi32, #tpu.memory_space<vmem>>
    tpu.wait_dma2 semaphore(%arg10 : memref<!tpu.dma_semaphore, #tpu.memory_space<semaphore_mem>>) src(%dma_wait3A_120 : memref<64xi32, #tpu.memory_space<vmem>>) dst(%dma_wait3A_118 : memref<64xi32, #tpu.memory_space<hbm>>)
    %dma_wait3A_121 = arith.constant 64 : i32
    %dma_wait3A_122 = tpu.memref_slice %arg8[%dma_wait3A_121] : memref<512xi32, #tpu.memory_space<vmem>> -> memref<64xi32, #tpu.memory_space<vmem>>
    %dma_wait3A_123 = arith.constant 64 : i32
    %dma_wait3A_124 = tpu.memref_slice %arg4[%arg0, %arg1, %dma_wait3A_123] : memref<2x16x512xi32, #tpu.memory_space<hbm>> -> memref<1x1x64xi32, #tpu.memory_space<hbm>>
    %dma_wait3A_125 = tpu.memref_squeeze %dma_wait3A_124 : memref<1x1x64xi32, #tpu.memory_space<hbm>> -> memref<64xi32, #tpu.memory_space<hbm>>
    %dma_wait3A_126 = arith.constant 64 : i32
    %dma_wait3A_127 = tpu.memref_slice %arg4[%arg0, %arg1, %dma_wait3A_126] : memref<2x16x512xi32, #tpu.memory_space<hbm>> -> memref<1x1x64xi32, #tpu.memory_space<hbm>>
    %dma_wait3A_128 = tpu.memref_squeeze %dma_wait3A_127 : memref<1x1x64xi32, #tpu.memory_space<hbm>> -> memref<64xi32, #tpu.memory_space<hbm>>
    %dma_wait3A_129 = arith.constant 64 : i32
    %dma_wait3A_130 = tpu.memref_slice %arg8[%dma_wait3A_129] : memref<512xi32, #tpu.memory_space<vmem>> -> memref<64xi32, #tpu.memory_space<vmem>>
    tpu.wait_dma2 semaphore(%arg10 : memref<!tpu.dma_semaphore, #tpu.memory_space<semaphore_mem>>) src(%dma_wait3A_130 : memref<64xi32, #tpu.memory_space<vmem>>) dst(%dma_wait3A_128 : memref<64xi32, #tpu.memory_space<hbm>>)
    %dma_wait3A_131 = arith.constant 128 : i32
    %dma_wait3A_132 = tpu.memref_slice %arg8[%dma_wait3A_131] : memref<512xi32, #tpu.memory_space<vmem>> -> memref<128xi32, #tpu.memory_space<vmem>>
    %dma_wait3A_133 = arith.constant 128 : i32
    %dma_wait3A_134 = tpu.memref_slice %arg4[%arg0, %arg1, %dma_wait3A_133] : memref<2x16x512xi32, #tpu.memory_space<hbm>> -> memref<1x1x128xi32, #tpu.memory_space<hbm>>
    %dma_wait3A_135 = tpu.memref_squeeze %dma_wait3A_134 : memref<1x1x128xi32, #tpu.memory_space<hbm>> -> memref<128xi32, #tpu.memory_space<hbm>>
    %dma_wait3A_136 = arith.constant 128 : i32
    %dma_wait3A_137 = tpu.memref_slice %arg4[%arg0, %arg1, %dma_wait3A_136] : memref<2x16x512xi32, #tpu.memory_space<hbm>> -> memref<1x1x128xi32, #tpu.memory_space<hbm>>
    %dma_wait3A_138 = tpu.memref_squeeze %dma_wait3A_137 : memref<1x1x128xi32, #tpu.memory_space<hbm>> -> memref<128xi32, #tpu.memory_space<hbm>>
    %dma_wait3A_139 = arith.constant 128 : i32
    %dma_wait3A_140 = tpu.memref_slice %arg8[%dma_wait3A_139] : memref<512xi32, #tpu.memory_space<vmem>> -> memref<128xi32, #tpu.memory_space<vmem>>
    tpu.wait_dma2 semaphore(%arg10 : memref<!tpu.dma_semaphore, #tpu.memory_space<semaphore_mem>>) src(%dma_wait3A_140 : memref<128xi32, #tpu.memory_space<vmem>>) dst(%dma_wait3A_138 : memref<128xi32, #tpu.memory_space<hbm>>)
    %dma_wait3A_141 = arith.constant 256 : i32
    %dma_wait3A_142 = tpu.memref_slice %arg8[%dma_wait3A_141] : memref<512xi32, #tpu.memory_space<vmem>> -> memref<256xi32, #tpu.memory_space<vmem>>
    %dma_wait3A_143 = arith.constant 256 : i32
    %dma_wait3A_144 = tpu.memref_slice %arg4[%arg0, %arg1, %dma_wait3A_143] : memref<2x16x512xi32, #tpu.memory_space<hbm>> -> memref<1x1x256xi32, #tpu.memory_space<hbm>>
    %dma_wait3A_145 = tpu.memref_squeeze %dma_wait3A_144 : memref<1x1x256xi32, #tpu.memory_space<hbm>> -> memref<256xi32, #tpu.memory_space<hbm>>
    %dma_wait3A_146 = arith.constant 256 : i32
    %dma_wait3A_147 = tpu.memref_slice %arg4[%arg0, %arg1, %dma_wait3A_146] : memref<2x16x512xi32, #tpu.memory_space<hbm>> -> memref<1x1x256xi32, #tpu.memory_space<hbm>>
    %dma_wait3A_148 = tpu.memref_squeeze %dma_wait3A_147 : memref<1x1x256xi32, #tpu.memory_space<hbm>> -> memref<256xi32, #tpu.memory_space<hbm>>
    %dma_wait3A_149 = arith.constant 256 : i32
    %dma_wait3A_150 = tpu.memref_slice %arg8[%dma_wait3A_149] : memref<512xi32, #tpu.memory_space<vmem>> -> memref<256xi32, #tpu.memory_space<vmem>>
    tpu.wait_dma2 semaphore(%arg10 : memref<!tpu.dma_semaphore, #tpu.memory_space<semaphore_mem>>) src(%dma_wait3A_150 : memref<256xi32, #tpu.memory_space<vmem>>) dst(%dma_wait3A_148 : memref<256xi32, #tpu.memory_space<hbm>>)
    return
  }
}

</mosaic_0001>

<sc_bundles>
// kernel: kernel.3.cloned.1.call-start
scs
__scs_entry_jumppad:
0x0: {  	(pc) =	sbr.rel $0x88, $3  }
0x1: {  	(tag) =	ssettag $0x0;
	lr =	simm.s32 $0x1  }
0x2: {  	[smem:$0x3F9F] =	sst lr;
	_ =	strace $0xD0000000  }
0x3: {  	_ = 	snop  }
0x4: {  	_ = 	snop  }
0x5: {  	_ = 	snop  }
0x6: {  	_ = 	snop  }
0x7: {  	_ = 	snop  }
__scs_overlays_trampoline_lowered:
0x8: {  	[smem:$0x3FAE] =	sst s0  }
0x9: {  	[smem:$0x3FAF] =	sst s1  }
0xa: {  	[smem:$0x3FB0] =	sst s2  }
0xb: {  	[smem:$0x3FB1] =	sst s3  }
0xc: {  	[smem:$0x3FB2] =	sst s4  }
0xd: {  	[smem:$0x3FB3] =	sst s5  }
0xe: {  	[smem:$0x3FB4] =	sst s6  }
0xf: {  	[smem:$0x3FB5] =	sst s7  }
0x10: {  	[smem:$0x3FB6] =	sst s8  }
0x11: {  	[smem:$0x3FB7] =	sst s9;
	s0 =	simm.s32 @!p0 $0x0  }
0x12: {  	s1 =	sld [smem:$0x3F9D];
	s0 =	simm.s32 @p0 $0x1  }
0x13: {  	[smem:$0x3FB8] =	sst s0;
	s0 =	simm.s32 @!p1 $0x0  }
0x14: {  	s2 =	sld [smem:$0x3F9C];
	s0 =	simm.s32 @p1 $0x1  }
0x15: {  	[smem:$0x3FB9] =	sst s0;
	s0 =	simm.s32 @!p2 $0x0  }
0x16: {  	s3 =	sld [smem:$0x3FDB];
	s0 =	simm.s32 @p2 $0x1  }
0x17: {  	s4 =	simm.s32 $0x1BF5;
	[smem:$0x3FBB] =	sst s0  }
0x18: {  	s0 =	sld [smem:$0x3F9E];
	_ =	swait.ge [sflag:s4], $0x0  }
0x19: {  	s7 =	sld [smem:$0x3F9F]  }
0x1a: {  	s8 =	sadd.s32 $0xFFFFE003, lr  }
0x1b: {  	s9 =	sadd.s32 $0xFFFFFEF7, lr;
	s5 =	simm.s32 $0xFFFFFFFF;
	p2 =	slt.u32 s8, $0xFFFFF086  }
0x1c: {  	p1 =	slt.u32 s9, $0xF7A;
	s5 =	simm.s32 @!p2 $0x0  }
0x1d: {  	s5 =	simm.s32 @p1 $0x1;
	p0 =	seq.s32 s7, s2  }
0x1e: {  	s7 =	smul.u32 @!p0 $0xF7A, s2;
	p2 =	seq.s32 @!p0 s5, $0x0  }
0x1f: {  	s9 =	smul.u32 $0xF7A, s1;
	s8 =	simm.s32 @!p0 $0x1BF5;
	p2 =	por !p2, p0  }
0x20: {  	[sflag:s8] =	ssyncset.s32 @!p0 $0xFFFFF086;
	s6 =	sadd.s32 @!p0 s3, s7;
	s7 =	simm.s32 @!p0 $0x108  }
0x21: {  	s3 =	sadd.s32 s3, s9;
	s6 =	sadd.s32 @!p0 $0x88, s6;
	s7 =	simm.s32 @p2 $0x1082  }
0x22: {  	[simem:s7], [sflag:s8] =	dma.local @!p0 [hbm:s6], $0xF7A  }
0x23: {  	s9 =	sor.u32 $0xD0000000, s2;
	s6 =	simm.s32 $0x108;
	_ =	swait.ge @!p0 [sflag:s8], $0x0  }
0x24: {  	s3 =	sadd.s32 $0x88, s3;
	s6 =	simm.s32 @!p1 $0x1082;
	[sflag:s4] =	ssyncset.s32 $0xFFFFF086  }
0x25: {  	[simem:s6], [sflag:s4] =	dma.local [hbm:s3], $0xF7A  }
0x26: {  	[smem:$0x3F9F] =	sst s1;
	(tag) =	ssettag s2;
	_ =	strace s9  }
0x27: {  	s1 =	sld [smem:$0x3FAF]  }
0x28: {  	s2 =	sld [smem:$0x3FB0]  }
0x29: {  	s4 =	sld [smem:$0x3FB2]  }
0x2a: {  	p0 =	seq.s32 s5, $0x0;
	s5 =	sld [smem:$0x3FB3]  }
0x2b: {  	s6 =	sld [smem:$0x3FB4]  }
0x2c: {  	s7 =	sld [smem:$0x3FB5]  }
0x2d: {  	s3 =	simm.s32 $0x108;
	s8 =	sld [smem:$0x3FB6]  }
0x2e: {  	s3 =	simm.s32 @!p0 $0x1082;
	s9 =	sld [smem:$0x3FB7]  }
0x2f: {  	lr =	sadd.s32 s0, s3;
	s0 =	sld [smem:$0x3FAE]  }
0x30: {  	s3 =	sld [smem:$0x3FB1]  }
0x31: {  	[smem:$0x3FBA] =	sst s10  }
0x32: {  	s10 =	sld [smem:$0x3FB8];
	_ =	sdelay $0x3  }
0x33: {  	p0 =	seq.s32 s10, $0x1;
	s10 =	sld [smem:$0x3FBA];
	_ =	sdelay $0x3  }
0x34: {  	[smem:$0x3FBA] =	sst s10  }
0x35: {  	s10 =	sld [smem:$0x3FB9];
	_ =	sdelay $0x3  }
0x36: {  	p1 =	seq.s32 s10, $0x1;
	s10 =	sld [smem:$0x3FBA];
	_ =	sdelay $0x3  }
0x37: {  	[smem:$0x3FBA] =	sst s10  }
0x38: {  	s10 =	sld [smem:$0x3FBB]  }
0x39: {  	_ = 	snop;
	(pc) =	sbr.ind lr, $3  }
0x3a: {  	_ = 	snop  }
0x3b: {  	_ = 	snop  }
0x3c: {  	p2 =	seq.s32 s10, $0x1;
	s10 =	sld [smem:$0x3FBA]  }
0x3d: {  	_ =	shalt  }
0x3e: {  	_ =	shalt  }
0x3f: {  	_ =	shalt  }
0x40: {  	_ =	shalt  }
0x41: {  	_ =	shalt  }
0x42: {  	_ =	shalt  }
0x43: {  	_ =	shalt  }
0x44: {  	_ =	shalt  }
0x45: {  	_ =	shalt  }
0x46: {  	_ =	shalt  }
0x47: {  	_ =	shalt  }
0x48: {  	_ =	shalt  }
0x49: {  	_ =	shalt  }
0x4a: {  	_ =	shalt  }
0x4b: {  	_ =	shalt  }
0x4c: {  	_ =	shalt  }
0x4d: {  	_ =	shalt  }
0x4e: {  	_ =	shalt  }
0x4f: {  	_ =	shalt  }
0x50: {  	_ =	shalt  }
0x51: {  	_ =	shalt  }
0x52: {  	_ =	shalt  }
0x53: {  	_ =	shalt  }
0x54: {  	_ =	shalt  }
0x55: {  	_ =	shalt  }
0x56: {  	_ =	shalt  }
0x57: {  	_ =	shalt  }
0x58: {  	_ =	shalt  }
0x59: {  	_ =	shalt  }
0x5a: {  	_ =	shalt  }
0x5b: {  	_ =	shalt  }
0x5c: {  	_ =	shalt  }
0x5d: {  	_ =	shalt  }
0x5e: {  	_ =	shalt  }
0x5f: {  	_ =	shalt  }
0x60: {  	_ =	shalt  }
0x61: {  	_ =	shalt  }
0x62: {  	_ =	shalt  }
0x63: {  	_ =	shalt  }
0x64: {  	_ =	shalt  }
0x65: {  	_ =	shalt  }
0x66: {  	_ =	shalt  }
0x67: {  	_ =	shalt  }
0x68: {  	_ =	shalt  }
0x69: {  	_ =	shalt  }
0x6a: {  	_ =	shalt  }
0x6b: {  	_ =	shalt  }
0x6c: {  	_ =	shalt  }
0x6d: {  	_ =	shalt  }
0x6e: {  	_ =	shalt  }
0x6f: {  	_ =	shalt  }
0x70: {  	_ =	shalt  }
0x71: {  	_ =	shalt  }
0x72: {  	_ =	shalt  }
0x73: {  	_ =	shalt  }
0x74: {  	_ =	shalt  }
0x75: {  	_ =	shalt  }
0x76: {  	_ =	shalt  }
0x77: {  	_ =	shalt  }
0x78: {  	_ =	shalt  }
0x79: {  	_ =	shalt  }
0x7a: {  	_ =	shalt  }
0x7b: {  	_ =	shalt  }
0x7c: {  	_ =	shalt  }
0x7d: {  	_ =	shalt  }
0x7e: {  	_ =	shalt  }
0x7f: {  	_ =	shalt  }
0x80: {  	_ =	shalt  }
0x81: {  	_ =	shalt  }
0x82: {  	_ =	shalt  }
0x83: {  	_ =	shalt  }
0x84: {  	_ =	shalt  }
0x85: {  	_ =	shalt  }
0x86: {  	_ =	shalt  }
0x87: {  	_ =	shalt  }
.Lfunc_end0:
.L_simem_size_0:
called_computation_lowered:
.L_overlay_start_0:
0x88: {  	s1 =	sld [smem:$0x3FD9]  }
0x89: {  	s3 =	sld [smem:$0x3FFE];
	_ =	sdelay $0x1  }
0x8a: {  	s2 =	srdreg.scid  }
0x8b: {  	s0 =	sand.u32 $0x1, s2  }
0x8c: {  	s24 =	sshll.u32 s0, $0xA;
	s1 =	sadd.s32 s3, s1  }
0x8d: {  	s1 =	sadd.s32 s1, s24  }
0x8e: {  	[smem:$0x3FC6] =	sst s1  }
0x8f: {  	_ = 	snop  }
0x90: {  	s1 =	simm.s32 $0x0;
	s4 =	sld [smem:$0x3FC8]  }
0x91: {  	[smem:$0xF] =	sst s1  }
0x92: {  	s5 =	sld [smem:$0x3FD0];
	(tm) =	ssettm $0x1  }
0x93: {  	s6 =	sld [smem:$0x3FFB];
	_ =	sdelay $0x3  }
0x94: {  	_ =	strace s6  }
0x95: {  	s6 =	sld [smem:$0x3FFC];
	_ =	sdelay $0x3  }
0x96: {  	_ =	strace s6  }
0x97: {  	s6 =	sld [smem:$0x3FFD];
	_ =	sdelay $0x3  }
0x98: {  	_ =	strace s6  }
0x99: {  	_ =	strace $0x8FFFFFFF  }
0x9a: {  	s25 =	sld [smem:$0x3FDB];
	_ =	sdelay $0x2  }
0x9b: {  	s7 =	simm.s32 $_scs_section_size;
	s8 =	simm.s32 $_tile_overlayer_lowered  }
0x9c: {  	s26 =	simm.s32 $_size__tile_overlayer_lowered;
	s8 =	sshll.u32 s8, $0x1;
	s6 =	sadd.s32 s7, s25  }
0x9d: {  	s9 =	simm.s32 $0x1BFF;
	s7 =	sshll.u32 s26, $0x1;
	s8 =	sadd.s32 s8, s6  }
0x9e: {  	[timem:s1], [sflag:s9] =	dma.local [hbm:s8], s7  }
0x9f: {  	_ =	swait.ge [sflag:s9], s7  }
0xa0: {  	s7 =	ssub.s32 $0x0, s7;
	[sflag:s9] =	ssyncset.done $0x0  }
0xa1: {  	[sflag:s9] =	ssyncadd.s32 s7;
	_ =	sdelay $0x1  }
0xa2: {  	s28 =	simm.s32 $0x1B8B  }
0xa3: {  	_ =	swait.ge [sflag:s28], $0x1  }
0xa4: {  	[sflag:s28] =	ssyncset.done $0x0  }
0xa5: {  	s30 =	simm.s32 $0x1B8E;
	s29 =	sld [smem:$0x3FFE];
	[sflag:s28] =	ssyncadd.s32 $0xFFFFFFFF  }
0xa6: {  	s31 =	simm.s32 $execute0_lowered;
	[smem:$0x3FD2] =	sst s30  }
0xa7: {  	s8 =	sshll.u32 s31, $0x1;
	_ =	strace $0x80000046;
	[dreg:$0x1] =	wrdreg $0xFFFFFFFF  }
0xa8: {  	s6 =	sadd.s32 s6, s8;
	s9 =	simm.s32 $_size_execute0_lowered;
	[dreg:$0x0] =	wrdreg $0x0  }
0xa9: {  	s8 =	sshll.u32 s9, $0x1;
	[dreg:$0x2] =	wrdreg s6  }
0xaa: {  	[dreg:$0x3] =	wrdreg s8  }
0xab: {  	[dreg:$0x4] =	wrdreg $0xC0  }
0xac: {  	_ =	task [dreg:s1], $0x5FFFF  }
0xad: {  	[dreg:$0x1] =	wrdreg $0xFFFFFFFF  }
0xae: {  	[dreg:$0x0] =	wrdreg $0x60  }
0xaf: {  	[dreg:$0x2] =	wrdreg s4  }
0xb0: {  	[dreg:$0x3] =	wrdreg s29  }
0xb1: {  	[dreg:$0x4] =	wrdreg $0x0  }
0xb2: {  	[dreg:$0x5] =	wrdreg $0x9  }
0xb3: {  	s10 =	simm.s32 $0xA;
	s3 =	sadd.s32 s24, s5;
	_ =	task.clear_ibuf [dreg:s1], $0x6FFFF  }
0xb4: {  	[spmem:s1], [sflag:s10] =	dma.local [hbm:s3], $0x400  }
0xb5: {  	_ =	swait.ge [sflag:s10], $0x400  }
0xb6: {  	[sflag:s10] =	ssyncset.done $0x0  }
0xb7: {  	[sflag:s10] =	ssyncadd.s32 $0xFFFFFC00  }
0xb8: {  	s11 =	sld [smem:$0x0];
	_ =	sdelay $0x2  }
0xb9: {  	s12 =	sshrl.u32 s2, $0x2  }
0xba: {  	s13 =	sand.u32 $0x3, s2;
	s3 =	sadd.s32 s12, s11  }
0xbb: {  	s5 =	sshll.u32 s13, $0xE;
	s3 =	sshll.u32 s3, $0x11  }
0xbc: {  	s3 =	sor.u32 s3, s5  }
0xbd: {  	s5 =	sor.u32 $0x11C01, s3  }
0xbe: {  	s14 =	sor.u32 $0x11C41, s3;
	[sflag:s5] =	ssyncadd.remote.s32 $0x1  }
0xbf: {  	s15 =	sor.u32 $0x11C81, s3;
	[sflag:s14] =	ssyncadd.remote.s32 $0x1  }
0xc0: {  	s16 =	sor.u32 $0x11CC1, s3;
	[sflag:s15] =	ssyncadd.remote.s32 $0x1  }
0xc1: {  	s17 =	sor.u32 $0x11D01, s3;
	[sflag:s16] =	ssyncadd.remote.s32 $0x1  }
0xc2: {  	s18 =	sor.u32 $0x11D41, s3;
	[sflag:s17] =	ssyncadd.remote.s32 $0x1  }
0xc3: {  	s19 =	sor.u32 $0x11D81, s3;
	[sflag:s18] =	ssyncadd.remote.s32 $0x1  }
0xc4: {  	s20 =	sor.u32 $0x11DC1, s3;
	[sflag:s19] =	ssyncadd.remote.s32 $0x1  }
0xc5: {  	s21 =	sor.u32 $0x11E01, s3;
	[sflag:s20] =	ssyncadd.remote.s32 $0x1  }
0xc6: {  	s22 =	sor.u32 $0x11E41, s3;
	[sflag:s21] =	ssyncadd.remote.s32 $0x1  }
0xc7: {  	s23 =	sor.u32 $0x11E81, s3;
	[sflag:s22] =	ssyncadd.remote.s32 $0x1  }
0xc8: {  	s24 =	sor.u32 $0x11EC1, s3;
	[sflag:s23] =	ssyncadd.remote.s32 $0x1  }
0xc9: {  	s25 =	sor.u32 $0x11F01, s3;
	[sflag:s24] =	ssyncadd.remote.s32 $0x1  }
0xca: {  	s26 =	sor.u32 $0x11F41, s3;
	[sflag:s25] =	ssyncadd.remote.s32 $0x1  }
0xcb: {  	s28 =	sor.u32 $0x11F81, s3;
	[sflag:s26] =	ssyncadd.remote.s32 $0x1  }
0xcc: {  	s3 =	sor.u32 $0x11FC1, s3;
	[sflag:s28] =	ssyncadd.remote.s32 $0x1  }
0xcd: {  	[sflag:s3] =	ssyncadd.remote.s32 $0x1  }
0xce: {  	_ =	strace $0x90000046  }
0xcf: {  	s29 =	simm.s32 $0x9;
	_ =	strace $0x80000048  }
0xd0: {  	_ =	swait.ge [sflag:s29], $0x1  }
0xd1: {  	[sflag:s29] =	ssyncadd.s32 $0xFFFFFFFF  }
0xd2: {  	_ =	strace $0x90000048  }
0xd3: {  	_ =	sfence  }
0xd4: {  	s30 =	sld [smem:$0x0];
	_ =	sdelay $0x2  }
0xd5: {  	s2 =	sshll.u32 s2, $0xD  }
0xd6: {  	s2 =	sand.u32 $0x4000, s2;
	s3 =	sadd.s32 s12, s30  }
0xd7: {  	s0 =	sor.u32 s2, s0;
	s31 =	sshll.u32 s3, $0x11  }
0xd8: {  	s0 =	sor.u32 s31, s0  }
0xd9: {  	s0 =	sadd.s32 $0x8F2B, s0  }
0xda: {  	[sflag:s0] =	ssyncadd.remote.s32 $0x1  }
0xdb: {  	_ =	sfence.sel $0xFFFF  }
0xdc: {  	[dreg:$0x0] =	wrdreg $0xFFFFFFFF;
	(pc) =	sbr.abs _section_cstart, $3  }
0xdd: {  	[dreg:$0x1] =	wrdreg $0xFFFFFFFF  }
0xde: {  	_ =	task.clear_ibuf [dreg:s1], $0x2FFFF;
	_ =	strace $0x9FFFFFFF  }
0xdf: {  	(tm) =	ssettm $0x7FFFFFFF  }
tec
execute0_lowered:
.L_overlay_start_1:
0x0: {  	(tag) =	ssettag $0x1  }
0x1: {  	s2 =	rddreg [dreg:$0x0]  }
0x2: {  	s19 =	rddreg [dreg:$0x1]  }
0x3: {  	s4 =	rddreg [dreg:$0x2]  }
0x4: {  	s0 =	rddreg [dreg:$0x3];
	s1 =	stileid.u32  }
0x5: {  	s3 =	simm.s32 $0x0;
	s12 =	srdreg.scid;
	s5 =	sshll.u32 s1, $0x9  }
0x6: {  	s6 =	simm.s32 $0x80;
	[smem:$0x7FF] =	sst s3;
	s10 =	sand.u32 $0x1000, s5  }
0x7: {  	_ =	strace $0x80000047;
	s31 =	sadd.s32 s10, s4;
	s4 =	simm.s32 $0x1  }
0x8: {  	s7 =	simm.s32 $0x400;
	s30 =	sshll.u32 s1, $0x7;
	_ =	swait.ge [sflag:s4], $0x1  }
0x9: {  	s8 =	simm.s32 $0x200;
	s11 =	sand.u32 $0x380, s30;
	[sflag:s4] =	ssyncset.done $0x0  }
0xa: {  	s9 =	simm.s32 $0x7;
	s5 =	sadd.s32 s11, s31;
	[sflag:s4] =	ssyncadd.s32 $0xFFFFFFFF  }
0xb: {  	[tilespmem:s8], [sflag:$0x7] =	stream.strided.gather [spmem:s5], $0x200, s7, s6, $0x38;
	[tilespmem:$0x600] =	vst v63  }
0xc: {  	s28 =	sand.u32 $0x1, s12;
	_ =	swait.ge [sflag:s9], $0x200  }
0xd: {  	s12 =	sshll.u32 s28, $0xD;
	[sflag:s9] =	ssyncset.done $0x0  }
0xe: {  	s12 =	sor.u32 s12, s10;
	s10 =	simm.s32 $0x40;
	[sflag:s9] =	ssyncadd.s32 $0xFFFFFE00  }
0xf: {  	[tilespmem:s7], [sflag:$0x2] =	stream.indirect.gather [hbm4b:s2+s10], $0x1, s8, s10, $0xb8;
	[tilespmem:$0x600] =	vst v63  }
0x10: {  	s20 =	sor.u32 s11, s12;
	s11 =	simm.s32 $0x240;
	s12 =	simm.s32 $0x440  }
0x11: {  	[tilespmem:s12], [sflag:$0x3] =	stream.indirect.gather [hbm4b:s2+s10], $0x1, s11, s10, $0xb8;
	[tilespmem:$0x600] =	vst v63  }
0x12: {  	s13 =	simm.s32 $0x280;
	s14 =	simm.s32 $0x480;
	s15 =	simm.s32 $0x100  }
0x13: {  	[tilespmem:s14], [sflag:$0x4] =	stream.indirect.gather [hbm4b:s2+s6], $0x1, s13, s6, $0xb8;
	[tilespmem:$0x600] =	vst v63  }
0x14: {  	s16 =	simm.s32 $0x300;
	s17 =	simm.s32 $0x500;
	s18 =	simm.s32 $0x2  }
0x15: {  	[tilespmem:s17], [sflag:$0x5] =	stream.indirect.gather [hbm4b:s2+s15], $0x1, s16, s15, $0xb8;
	[tilespmem:$0x600] =	vst v63  }
0x16: {  	s20 =	sshrl.u32 s20, $0x3;
	_ =	swait.ge [sflag:s18], $0x40  }
0x17: {  	s25 =	sadd.s32 s20, s19;
	[sflag:s18] =	ssyncset.done $0x0  }
0x18: {  	s20 =	simm.s32 $0x3;
	s19 =	sadd.s32 $0x400, s25;
	[sflag:s18] =	ssyncadd.s32 $0xFFFFFFC0  }
0x19: {  	[hbm4b:s19+s3] =	stream.linear.scatter [tilespmem:s7], [sflag:$0x6], $0x40, $0x38;
	[tilespmem:$0x600] =	vst v63  }
0x1a: {  	_ =	swait.ge [sflag:s20], $0x40  }
0x1b: {  	[sflag:s20] =	ssyncset.done $0x0  }
0x1c: {  	s22 =	simm.s32 $0x4;
	s21 =	sadd.s32 $0x408, s25;
	[sflag:s20] =	ssyncadd.s32 $0xFFFFFFC0  }
0x1d: {  	[hbm4b:s21+s3] =	stream.linear.scatter [tilespmem:s12], [sflag:$0x6], $0x40, $0x38;
	[tilespmem:$0x600] =	vst v63  }
0x1e: {  	_ =	swait.ge [sflag:s22], $0x80  }
0x1f: {  	[sflag:s22] =	ssyncset.done $0x0  }
0x20: {  	s24 =	simm.s32 $0x5;
	s23 =	sadd.s32 $0x480, s25;
	[sflag:s22] =	ssyncadd.s32 $0xFFFFFF80  }
0x21: {  	[hbm4b:s23+s3] =	stream.linear.scatter [tilespmem:s14], [sflag:$0x6], $0x80, $0x38;
	[tilespmem:$0x600] =	vst v63  }
0x22: {  	_ =	swait.ge [sflag:s24], $0x100  }
0x23: {  	[sflag:s24] =	ssyncset.done $0x0  }
0x24: {  	s26 =	simm.s32 $0x6;
	s25 =	sadd.s32 $0x500, s25;
	[sflag:s24] =	ssyncadd.s32 $0xFFFFFF00  }
0x25: {  	[hbm4b:s25+s6] =	stream.strided.scatter [tilespmem:s17], [sflag:$0x6], $0x100, s7, s6, $0x38;
	[tilespmem:$0x600] =	vst v63  }
0x26: {  	_ =	swait.ge [sflag:s26], $0x40  }
0x27: {  	s28 =	ssub.s32 $0x2, s28;
	[sflag:s26] =	ssyncset.done $0x0  }
0x28: {  	s29 =	sshrl.u32 s28, $0x1;
	[sflag:s26] =	ssyncadd.s32 $0xFFFFFFC0  }
0x29: {  	s28 =	ssub.s32 s28, s29;
	_ =	swait.ge [sflag:s26], $0x40  }
0x2a: {  	s28 =	smax.u32 s28, $0x1;
	[sflag:s26] =	ssyncset.done $0x0  }
0x2b: {  	p0 =	sne.s32 s28, $0x1;
	[sflag:s26] =	ssyncadd.s32 $0xFFFFFFC0  }
.Ltmp0:
0x2c: {  	_ =	swait.ge [sflag:s26], $0x80;
	(pc) =	sbr.rel @!p0 .LBB2_2-.Ltmp0, $4  }
0x2d: {  	[sflag:s26] =	ssyncset.done $0x0  }
0x2e: {  	[sflag:s26] =	ssyncadd.s32 $0xFFFFFF80  }
0x2f: {  	_ =	swait.ge [sflag:s26], $0x100  }
0x30: {  	s28 =	sadd.s32 $0xFFFFFFFF, s28;
	[sflag:s26] =	ssyncset.done $0x0  }
.LBB2_1:
0x31: {  	p0 =	sne.s32 s28, $0x1;
	s28 =	sadd.s32 $0xFFFFFFFF, s28;
	[sflag:s26] =	ssyncadd.s32 $0xFFFFFF00  }
0x32: {  	_ =	swait.ge [sflag:s4], $0x1  }
0x33: {  	[sflag:s4] =	ssyncset.done $0x0  }
0x34: {  	[sflag:s4] =	ssyncadd.s32 $0xFFFFFFFF  }
0x35: {  	[tilespmem:s8], [sflag:$0x7] =	stream.strided.gather [spmem:s5], $0x200, s7, s6, $0x38;
	[tilespmem:$0x600] =	vst v63  }
0x36: {  	_ =	swait.ge [sflag:s9], $0x200  }
0x37: {  	[sflag:s9] =	ssyncset.done $0x0  }
0x38: {  	[sflag:s9] =	ssyncadd.s32 $0xFFFFFE00  }
0x39: {  	[tilespmem:s7], [sflag:$0x2] =	stream.indirect.gather [hbm4b:s2+s10], $0x1, s8, s10, $0xb8;
	[tilespmem:$0x600] =	vst v63  }
0x3a: {  	_ = 	snop  }
0x3b: {  	[tilespmem:s12], [sflag:$0x3] =	stream.indirect.gather [hbm4b:s2+s10], $0x1, s11, s10, $0xb8;
	[tilespmem:$0x600] =	vst v63  }
0x3c: {  	_ = 	snop  }
0x3d: {  	[tilespmem:s14], [sflag:$0x4] =	stream.indirect.gather [hbm4b:s2+s6], $0x1, s13, s6, $0xb8;
	[tilespmem:$0x600] =	vst v63  }
0x3e: {  	_ = 	snop  }
0x3f: {  	[tilespmem:s17], [sflag:$0x5] =	stream.indirect.gather [hbm4b:s2+s15], $0x1, s16, s15, $0xb8;
	[tilespmem:$0x600] =	vst v63  }
0x40: {  	_ =	swait.ge [sflag:s18], $0x40  }
0x41: {  	[sflag:s18] =	ssyncset.done $0x0  }
0x42: {  	[sflag:s18] =	ssyncadd.s32 $0xFFFFFFC0  }
0x43: {  	[hbm4b:s19+s3] =	stream.linear.scatter [tilespmem:s7], [sflag:$0x6], $0x40, $0x38;
	[tilespmem:$0x600] =	vst v63  }
0x44: {  	_ =	swait.ge [sflag:s20], $0x40  }
0x45: {  	[sflag:s20] =	ssyncset.done $0x0  }
0x46: {  	[sflag:s20] =	ssyncadd.s32 $0xFFFFFFC0  }
0x47: {  	[hbm4b:s21+s3] =	stream.linear.scatter [tilespmem:s12], [sflag:$0x6], $0x40, $0x38;
	[tilespmem:$0x600] =	vst v63  }
0x48: {  	_ =	swait.ge [sflag:s22], $0x80  }
0x49: {  	[sflag:s22] =	ssyncset.done $0x0  }
0x4a: {  	[sflag:s22] =	ssyncadd.s32 $0xFFFFFF80  }
0x4b: {  	[hbm4b:s23+s3] =	stream.linear.scatter [tilespmem:s14], [sflag:$0x6], $0x80, $0x38;
	[tilespmem:$0x600] =	vst v63  }
0x4c: {  	_ =	swait.ge [sflag:s24], $0x100  }
0x4d: {  	[sflag:s24] =	ssyncset.done $0x0  }
0x4e: {  	[sflag:s24] =	ssyncadd.s32 $0xFFFFFF00  }
0x4f: {  	[hbm4b:s25+s6] =	stream.strided.scatter [tilespmem:s17], [sflag:$0x6], $0x100, s7, s6, $0x38;
	[tilespmem:$0x600] =	vst v63  }
0x50: {  	_ =	swait.ge [sflag:s26], $0x40  }
0x51: {  	[sflag:s26] =	ssyncset.done $0x0  }
0x52: {  	[sflag:s26] =	ssyncadd.s32 $0xFFFFFFC0  }
0x53: {  	_ =	swait.ge [sflag:s26], $0x40  }
0x54: {  	[sflag:s26] =	ssyncset.done $0x0  }
0x55: {  	[sflag:s26] =	ssyncadd.s32 $0xFFFFFFC0  }
.Ltmp1:
0x56: {  	_ =	swait.ge [sflag:s26], $0x80;
	(pc) =	sbr.rel @p0 .LBB2_1-.Ltmp1, $4  }
0x57: {  	[sflag:s26] =	ssyncset.done $0x0  }
0x58: {  	[sflag:s26] =	ssyncadd.s32 $0xFFFFFF80  }
0x59: {  	_ =	swait.ge [sflag:s26], $0x100  }
0x5a: {  	[sflag:s26] =	ssyncset.done $0x0  }
.LBB2_2:
0x5b: {  	[sflag:s26] =	ssyncadd.s32 $0xFFFFFF00  }
0x5c: {  	_ =	sfence.sel $0x180000  }
0x5d: {  	[bflag:$0x0] =	sbarrier.arrive $0xFFFF  }
0x5e: {  	p0 =	sne.s32 s1, $0x0;
	_ =	strace $0x90000047  }
0x5f: {  	s0 =	sadd.s32 @!p0 $0x100000, s0;
	[bflag:$0x2] =	sbarrier.arrive $0xFFFF  }
0x60: {  	[sflag:s0] =	ssyncadd.tile.s32 @!p0 $0x1;
	_ =	shalt  }
.Lfunc_end2:
_tile_overlayer_lowered:
.L_overlay_start_2:
0x61: {  	(tag) =	ssettag $0x2  }
0x62: {  	s0 =	rddreg [dreg:$0x0];
	s2 =	stileid.u32  }
0x63: {  	s1 =	rddreg [dreg:$0x1];
	p0 =	sne.s32 s2, $0x0  }
0x64: {  	s3 =	rddreg [dreg:$0x2];
	[bflag:$0x3] =	sbarrier.arrive $0xFFFF;
	s2 =	simm.s32 @!p0 $0x1C07  }
0x65: {  	[timem:s3], [sflag:s2] =	dma.local @!p0 [hbm:s0], s1  }
0x66: {  	s0 =	simm.s32 @!p0 $0x7  }
0x67: {  	_ =	swait.ge @!p0 [sflag:s0], s1  }
0x68: {  	s1 =	ssub.s32 @!p0 $0x0, s1;
	[sflag:s0] =	ssyncset.done @!p0 $0x0  }
0x69: {  	[sflag:s0] =	ssyncadd.s32 @!p0 s1  }
0x6a: {  	[bflag:$0x3] =	sbarrier.arrive $0xFFFF  }
0x6b: {  	_ =	shalt  }

</sc_bundles>
